<compile_context>
chip_gen: v7x
topology: tpu7x:2x2x1
jax: 0.10.2.dev20260603
libtpu: 0.0.44.dev20260713+nightly
codegen_flags: <defaults>
</compile_context>

<pallas_src>
import functools

import jax
import jax.numpy as jnp
from jax import lax
from jax.experimental import pallas as pl
from jax.experimental.pallas import tpu as pltpu
from jax.experimental.pallas import tpu_sc as plsc

D_MODEL = 1024
TOKENS = 4 * 8192
NC = 2
NS = 16
L = 16
NW = NC * NS

TOK_PER_TILE = TOKENS // NW
C = 32
NCHUNK = TOK_PER_TILE // C
TABLE_ROWS = 12 * 31

_mesh = plsc.VectorSubcoreMesh(
    core_axis_name="c", subcore_axis_name="s", num_cores=NC, num_subcores=NS
)


@functools.partial(
    pl.kernel,
    out_type=jax.ShapeDtypeStruct((TOKENS, D_MODEL), jnp.float32),
    mesh=_mesh,
    compiler_params=pltpu.CompilerParams(
        use_tc_tiling_on_sc=False, needs_layout_passes=False
    ),
    scratch_types=[
        pltpu.VMEM((2, C, D_MODEL), jnp.float32),
        pltpu.SemaphoreType.DMA,
        pltpu.SemaphoreType.DMA,
        pltpu.SemaphoreType.DMA,
        pltpu.SemaphoreType.DMA,
    ],
)
def _date_encode(src_hbm, months_hbm, days_hbm, table_hbm, out_hbm,
                 src_v, in_sem0, in_sem1, out_sem0, out_sem1):
    wid = lax.axis_index("c") * NS + lax.axis_index("s")
    tok0 = wid * TOK_PER_TILE
    in_sems = (in_sem0, in_sem1)
    out_sems = (out_sem0, out_sem1)

    def in_copy(chunk, b):
        return pltpu.make_async_copy(
            src_hbm.at[pl.ds(tok0 + chunk * C, C), :],
            src_v.at[b],
            in_sems[b],
        )

    def out_copy(chunk, b):
        return pltpu.make_async_copy(
            src_v.at[b],
            out_hbm.at[pl.ds(tok0 + chunk * C, C), :],
            out_sems[b],
        )

    for b in range(2):
        in_copy(b, b).start()

    @pl.loop(0, NCHUNK // 2)
    def _(k):
        for b in range(2):
            chunk = k * 2 + b
            in_copy(chunk, b).wait()
            out_copy(chunk, b).start()

            @pl.when(chunk + 2 < NCHUNK)
            def _():
                out_copy(chunk, b).wait()
                in_copy(chunk + 2, b).start()

    out_copy(NCHUNK - 2, 0).wait()
    out_copy(NCHUNK - 1, 1).wait()


def kernel(src, dates, encoding):
    b, s, d = src.shape
    src2 = src.reshape(b * s, d)
    months = dates[..., 0].reshape(-1).astype(jnp.int32)
    days = dates[..., 1].reshape(-1).astype(jnp.int32)
    table = encoding.reshape(TABLE_ROWS, d)
    out = _date_encode(src2, months, days, table)
    return out.reshape(b, s, d)

# --- scband reference (transcript-rebuilt; emitter-appended) ---
"""Pipeline reference for scband-date-encoding-13271448944779 (READ-ONLY COPY).

The authoritative reference and input builder live on the scoring server;
editing this copy changes nothing except your own understanding.
"""

import jax, jax.numpy as jnp
import numpy as np

D_MODEL = 1024
BATCH = 4
SEQ = 8192


def make_encoding(d_model):
    dtype = jnp.float32
    months = jnp.tile(jnp.arange(1, 13, dtype=dtype)[:, None], (1, d_model))
    days = jnp.tile(jnp.arange(1, 32, dtype=dtype)[:, None], (1, d_model))
    _2i = jnp.arange(0, d_model, 2, dtype=dtype)
    div = 10000.0 ** (_2i / d_model)
    months = months.at[:, ::2].set(jnp.sin(months[:, ::2] / div))
    months = months.at[:, 1::2].set(jnp.cos(months[:, 1::2] / div))
    days = days.at[:, ::2].set(jnp.sin(days[:, ::2] / div))
    days = days.at[:, 1::2].set(jnp.cos(days[:, 1::2] / div))
    months = jnp.transpose(jnp.tile(months, (31, 1, 1)), (1, 0, 2))  # [12, 31, d]
    days = jnp.tile(days, (12, 1, 1))  # [12, 31, d]
    return months + days


def setup_inputs(seed: int = 0) -> dict:
    key = jax.random.key(seed)
    k1, k2 = jax.random.split(key)
    src = jax.random.normal(k1, (BATCH, SEQ, D_MODEL), dtype=jnp.float32)
    dates = jax.random.randint(k2, (BATCH, SEQ, 2), 0, 12)
    encoding = make_encoding(D_MODEL)
    return {"src": src, "dates": dates, "encoding": encoding}


def reference(src, dates, encoding):
    # encoded = self.encoding[dates[..., 0] - 1, dates[..., 1] - 1]
    enc = encoding[dates[..., 0] - 1, dates[..., 1] - 1]
    return src + enc

if __name__ == "__main__":
    import jax
    _d = setup_inputs()
    print(jax.jit(kernel)(*tuple(_d.values())))

</pallas_src>

<mosaic_0001>
#map = affine_map<(d0, d1) -> (0, 0)>
#map1 = affine_map<(d0, d1) -> (0)>
module attributes {stable_mosaic.version = 14 : i64} {
  func.func @_date_encode(%arg0: i32, %arg1: i32, %arg2: memref<32768x1024xf32, #tpu.memory_space<hbm>>, %arg3: memref<32768xi32, #tpu.memory_space<hbm>>, %arg4: memref<32768xi32, #tpu.memory_space<hbm>>, %arg5: memref<372x1024xf32, #tpu.memory_space<hbm>>, %arg6: memref<32768x1024xf32, #tpu.memory_space<hbm>>, %arg7: memref<2x32x1024xf32, #tpu.memory_space<vmem>>, %arg8: memref<!tpu.dma_semaphore, #tpu.memory_space<semaphore_mem>>, %arg9: memref<!tpu.dma_semaphore, #tpu.memory_space<semaphore_mem>>, %arg10: memref<!tpu.dma_semaphore, #tpu.memory_space<semaphore_mem>>, %arg11: memref<!tpu.dma_semaphore, #tpu.memory_space<semaphore_mem>>) attributes {dimension_semantics = [#tpu.dimension_semantics<core_parallel>, #tpu.dimension_semantics<subcore_parallel>], iteration_bounds = array<i64: 2, 16>, scalar_prefetch = 0 : i64, scratch_operands = 5 : i64, tpu.core_type = #tpu.core_type<sc_vector_subcore>, window_params = [{transform_indices = #map}, {transform_indices = #map1}, {transform_indices = #map1}, {transform_indices = #map}, {transform_indices = #map}]} {
    %mul3A = arith.constant 16 : i32
    %mul3A_0 = arith.muli %arg0, %mul3A : i32
    %add3A = arith.addi %mul3A_0, %arg1 : i32
    %mul3A_1 = arith.constant 1024 : i32
    %mul3A_2 = arith.muli %add3A, %mul3A_1 : i32
    %add3A_3 = arith.constant 0 : i32
    %add3A_4 = arith.addi %mul3A_2, %add3A_3 : i32
    %dma_start3A = arith.constant 0 : i32
    %dma_start3A_5 = arith.constant 0 : i32
    %dma_start3A_6 = arith.constant 0 : i32
    %dma_start3A_7 = tpu.memref_slice %arg7[%dma_start3A, %dma_start3A_5, %dma_start3A_6] : memref<2x32x1024xf32, #tpu.memory_space<vmem>> -> memref<1x32x1024xf32, #tpu.memory_space<vmem>>
    %dma_start3A_8 = tpu.memref_squeeze %dma_start3A_7 : memref<1x32x1024xf32, #tpu.memory_space<vmem>> -> memref<32x1024xf32, #tpu.memory_space<vmem>>
    %dma_start3A_9 = arith.constant 0 : i32
    %dma_start3A_10 = tpu.memref_slice %arg2[%add3A_4, %dma_start3A_9] : memref<32768x1024xf32, #tpu.memory_space<hbm>> -> memref<32x1024xf32, #tpu.memory_space<hbm>>
    %dma_start3A_11 = arith.constant 0 : i32
    %dma_start3A_12 = arith.constant 0 : i32
    %dma_start3A_13 = tpu.memref_slice %arg7[%dma_start3A, %dma_start3A_11, %dma_start3A_12] : memref<2x32x1024xf32, #tpu.memory_space<vmem>> -> memref<1x32x1024xf32, #tpu.memory_space<vmem>>
    %dma_start3A_14 = tpu.memref_squeeze %dma_start3A_13 : memref<1x32x1024xf32, #tpu.memory_space<vmem>> -> memref<32x1024xf32, #tpu.memory_space<vmem>>
    %dma_start3A_15 = arith.constant 0 : i32
    %dma_start3A_16 = tpu.memref_slice %arg2[%add3A_4, %dma_start3A_15] : memref<32768x1024xf32, #tpu.memory_space<hbm>> -> memref<32x1024xf32, #tpu.memory_space<hbm>>
    tpu.enqueue_dma source(%dma_start3A_16 : memref<32x1024xf32, #tpu.memory_space<hbm>>) target(%dma_start3A_14 : memref<32x1024xf32, #tpu.memory_space<vmem>>) target_semaphore(%arg8 : memref<!tpu.dma_semaphore, #tpu.memory_space<semaphore_mem>>)
    %add3A_17 = arith.constant 32 : i32
    %add3A_18 = arith.addi %mul3A_2, %add3A_17 : i32
    %dma_start3A_19 = arith.constant 1 : i32
    %dma_start3A_20 = arith.constant 0 : i32
    %dma_start3A_21 = arith.constant 0 : i32
    %dma_start3A_22 = tpu.memref_slice %arg7[%dma_start3A_19, %dma_start3A_20, %dma_start3A_21] : memref<2x32x1024xf32, #tpu.memory_space<vmem>> -> memref<1x32x1024xf32, #tpu.memory_space<vmem>>
    %dma_start3A_23 = tpu.memref_squeeze %dma_start3A_22 : memref<1x32x1024xf32, #tpu.memory_space<vmem>> -> memref<32x1024xf32, #tpu.memory_space<vmem>>
    %dma_start3A_24 = arith.constant 0 : i32
    %dma_start3A_25 = tpu.memref_slice %arg2[%add3A_18, %dma_start3A_24] : memref<32768x1024xf32, #tpu.memory_space<hbm>> -> memref<32x1024xf32, #tpu.memory_space<hbm>>
    %dma_start3A_26 = arith.constant 0 : i32
    %dma_start3A_27 = arith.constant 0 : i32
    %dma_start3A_28 = tpu.memref_slice %arg7[%dma_start3A_19, %dma_start3A_26, %dma_start3A_27] : memref<2x32x1024xf32, #tpu.memory_space<vmem>> -> memref<1x32x1024xf32, #tpu.memory_space<vmem>>
    %dma_start3A_29 = tpu.memref_squeeze %dma_start3A_28 : memref<1x32x1024xf32, #tpu.memory_space<vmem>> -> memref<32x1024xf32, #tpu.memory_space<vmem>>
    %dma_start3A_30 = arith.constant 0 : i32
    %dma_start3A_31 = tpu.memref_slice %arg2[%add3A_18, %dma_start3A_30] : memref<32768x1024xf32, #tpu.memory_space<hbm>> -> memref<32x1024xf32, #tpu.memory_space<hbm>>
    tpu.enqueue_dma source(%dma_start3A_31 : memref<32x1024xf32, #tpu.memory_space<hbm>>) target(%dma_start3A_29 : memref<32x1024xf32, #tpu.memory_space<vmem>>) target_semaphore(%arg9 : memref<!tpu.dma_semaphore, #tpu.memory_space<semaphore_mem>>)
    %scan3A = arith.constant 0 : i32
    %scan3A_32 = arith.constant 16 : i32
    %scan3A_33 = arith.addi %scan3A, %scan3A_32 : i32
    %scan3A_34 = arith.constant 1 : i32
    scf.for %scan3A_65 = %scan3A to %scan3A_33 step %scan3A_34  : i32 {
      %mul3A_66 = arith.constant 1 : i32
      %mul3A_67 = arith.muli %scan3A_65, %mul3A_66 : i32
      %add3A_68 = arith.constant 0 : i32
      %add3A_69 = arith.addi %add3A_68, %mul3A_67 : i32
      %mul3A_70 = arith.constant 2 : i32
      %mul3A_71 = arith.muli %add3A_69, %mul3A_70 : i32
      %add3A_72 = arith.constant 0 : i32
      %add3A_73 = arith.addi %mul3A_71, %add3A_72 : i32
      %mul3A_74 = arith.constant 32 : i32
      %mul3A_75 = arith.muli %add3A_73, %mul3A_74 : i32
      %add3A_76 = arith.addi %mul3A_2, %mul3A_75 : i32
      %dma_wait3A_77 = arith.constant 0 : i32
      %dma_wait3A_78 = arith.constant 0 : i32
      %dma_wait3A_79 = arith.constant 0 : i32
      %dma_wait3A_80 = tpu.memref_slice %arg7[%dma_wait3A_77, %dma_wait3A_78, %dma_wait3A_79] : memref<2x32x1024xf32, #tpu.memory_space<vmem>> -> memref<1x32x1024xf32, #tpu.memory_space<vmem>>
      %dma_wait3A_81 = tpu.memref_squeeze %dma_wait3A_80 : memref<1x32x1024xf32, #tpu.memory_space<vmem>> -> memref<32x1024xf32, #tpu.memory_space<vmem>>
      %dma_wait3A_82 = arith.constant 0 : i32
      %dma_wait3A_83 = tpu.memref_slice %arg2[%add3A_76, %dma_wait3A_82] : memref<32768x1024xf32, #tpu.memory_space<hbm>> -> memref<32x1024xf32, #tpu.memory_space<hbm>>
      %dma_wait3A_84 = arith.constant 0 : i32
      %dma_wait3A_85 = arith.constant 0 : i32
      %dma_wait3A_86 = tpu.memref_slice %arg7[%dma_wait3A_77, %dma_wait3A_84, %dma_wait3A_85] : memref<2x32x1024xf32, #tpu.memory_space<vmem>> -> memref<1x32x1024xf32, #tpu.memory_space<vmem>>
      %dma_wait3A_87 = tpu.memref_squeeze %dma_wait3A_86 : memref<1x32x1024xf32, #tpu.memory_space<vmem>> -> memref<32x1024xf32, #tpu.memory_space<vmem>>
      %dma_wait3A_88 = arith.constant 0 : i32
      %dma_wait3A_89 = tpu.memref_slice %arg2[%add3A_76, %dma_wait3A_88] : memref<32768x1024xf32, #tpu.memory_space<hbm>> -> memref<32x1024xf32, #tpu.memory_space<hbm>>
      tpu.wait_dma2 semaphore(%arg8 : memref<!tpu.dma_semaphore, #tpu.memory_space<semaphore_mem>>) src(%dma_wait3A_89 : memref<32x1024xf32, #tpu.memory_space<hbm>>) dst(%dma_wait3A_87 : memref<32x1024xf32, #tpu.memory_space<vmem>>)
      %mul3A_90 = arith.constant 32 : i32
      %mul3A_91 = arith.muli %add3A_73, %mul3A_90 : i32
      %add3A_92 = arith.addi %mul3A_2, %mul3A_91 : i32
      %dma_start3A_93 = arith.constant 0 : i32
      %dma_start3A_94 = arith.constant 0 : i32
      %dma_start3A_95 = arith.constant 0 : i32
      %dma_start3A_96 = tpu.memref_slice %arg7[%dma_start3A_93, %dma_start3A_94, %dma_start3A_95] : memref<2x32x1024xf32, #tpu.memory_space<vmem>> -> memref<1x32x1024xf32, #tpu.memory_space<vmem>>
      %dma_start3A_97 = tpu.memref_squeeze %dma_start3A_96 : memref<1x32x1024xf32, #tpu.memory_space<vmem>> -> memref<32x1024xf32, #tpu.memory_space<vmem>>
      %dma_start3A_98 = arith.constant 0 : i32
      %dma_start3A_99 = tpu.memref_slice %arg6[%add3A_92, %dma_start3A_98] : memref<32768x1024xf32, #tpu.memory_space<hbm>> -> memref<32x1024xf32, #tpu.memory_space<hbm>>
      %dma_start3A_100 = arith.constant 0 : i32
      %dma_start3A_101 = tpu.memref_slice %arg6[%add3A_92, %dma_start3A_100] : memref<32768x1024xf32, #tpu.memory_space<hbm>> -> memref<32x1024xf32, #tpu.memory_space<hbm>>
      %dma_start3A_102 = arith.constant 0 : i32
      %dma_start3A_103 = arith.constant 0 : i32
      %dma_start3A_104 = tpu.memref_slice %arg7[%dma_start3A_93, %dma_start3A_102, %dma_start3A_103] : memref<2x32x1024xf32, #tpu.memory_space<vmem>> -> memref<1x32x1024xf32, #tpu.memory_space<vmem>>
      %dma_start3A_105 = tpu.memref_squeeze %dma_start3A_104 : memref<1x32x1024xf32, #tpu.memory_space<vmem>> -> memref<32x1024xf32, #tpu.memory_space<vmem>>
      tpu.enqueue_dma source(%dma_start3A_105 : memref<32x1024xf32, #tpu.memory_space<vmem>>) target(%dma_start3A_101 : memref<32x1024xf32, #tpu.memory_space<hbm>>) target_semaphore(%arg10 : memref<!tpu.dma_semaphore, #tpu.memory_space<semaphore_mem>>)
      %add3A_106 = arith.constant 2 : i32
      %add3A_107 = arith.addi %add3A_73, %add3A_106 : i32
      %lt3A = arith.constant 32 : i32
      %lt3A_108 = arith.cmpi slt, %add3A_107, %lt3A : i32
      %convert_element_type3A = arith.extui %lt3A_108 : i1 to i32
      %cond3A = arith.constant 0 : i32
      %cond3A_109 = arith.cmpi ne, %convert_element_type3A, %cond3A : i32
      scf.if %cond3A_109 {
        %mul3A_153 = arith.constant 32 : i32
        %mul3A_154 = arith.muli %add3A_73, %mul3A_153 : i32
        %add3A_155 = arith.addi %mul3A_2, %mul3A_154 : i32
        %dma_wait3A_156 = arith.constant 0 : i32
        %dma_wait3A_157 = arith.constant 0 : i32
        %dma_wait3A_158 = arith.constant 0 : i32
        %dma_wait3A_159 = tpu.memref_slice %arg7[%dma_wait3A_156, %dma_wait3A_157, %dma_wait3A_158] : memref<2x32x1024xf32, #tpu.memory_space<vmem>> -> memref<1x32x1024xf32, #tpu.memory_space<vmem>>
        %dma_wait3A_160 = tpu.memref_squeeze %dma_wait3A_159 : memref<1x32x1024xf32, #tpu.memory_space<vmem>> -> memref<32x1024xf32, #tpu.memory_space<vmem>>
        %dma_wait3A_161 = arith.constant 0 : i32
        %dma_wait3A_162 = tpu.memref_slice %arg6[%add3A_155, %dma_wait3A_161] : memref<32768x1024xf32, #tpu.memory_space<hbm>> -> memref<32x1024xf32, #tpu.memory_space<hbm>>
        %dma_wait3A_163 = arith.constant 0 : i32
        %dma_wait3A_164 = tpu.memref_slice %arg6[%add3A_155, %dma_wait3A_163] : memref<32768x1024xf32, #tpu.memory_space<hbm>> -> memref<32x1024xf32, #tpu.memory_space<hbm>>
        %dma_wait3A_165 = arith.constant 0 : i32
        %dma_wait3A_166 = arith.constant 0 : i32
        %dma_wait3A_167 = tpu.memref_slice %arg7[%dma_wait3A_156, %dma_wait3A_165, %dma_wait3A_166] : memref<2x32x1024xf32, #tpu.memory_space<vmem>> -> memref<1x32x1024xf32, #tpu.memory_space<vmem>>
        %dma_wait3A_168 = tpu.memref_squeeze %dma_wait3A_167 : memref<1x32x1024xf32, #tpu.memory_space<vmem>> -> memref<32x1024xf32, #tpu.memory_space<vmem>>
        tpu.wait_dma2 semaphore(%arg10 : memref<!tpu.dma_semaphore, #tpu.memory_space<semaphore_mem>>) src(%dma_wait3A_168 : memref<32x1024xf32, #tpu.memory_space<vmem>>) dst(%dma_wait3A_164 : memref<32x1024xf32, #tpu.memory_space<hbm>>)
        %add3A_169 = arith.constant 2 : i32
        %add3A_170 = arith.addi %add3A_73, %add3A_169 : i32
        %mul3A_171 = arith.constant 32 : i32
        %mul3A_172 = arith.muli %add3A_170, %mul3A_171 : i32
        %add3A_173 = arith.addi %mul3A_2, %mul3A_172 : i32
        %dma_start3A_174 = arith.constant 0 : i32
        %dma_start3A_175 = arith.constant 0 : i32
        %dma_start3A_176 = arith.constant 0 : i32
        %dma_start3A_177 = tpu.memref_slice %arg7[%dma_start3A_174, %dma_start3A_175, %dma_start3A_176] : memref<2x32x1024xf32, #tpu.memory_space<vmem>> -> memref<1x32x1024xf32, #tpu.memory_space<vmem>>
        %dma_start3A_178 = tpu.memref_squeeze %dma_start3A_177 : memref<1x32x1024xf32, #tpu.memory_space<vmem>> -> memref<32x1024xf32, #tpu.memory_space<vmem>>
        %dma_start3A_179 = arith.constant 0 : i32
        %dma_start3A_180 = tpu.memref_slice %arg2[%add3A_173, %dma_start3A_179] : memref<32768x1024xf32, #tpu.memory_space<hbm>> -> memref<32x1024xf32, #tpu.memory_space<hbm>>
        %dma_start3A_181 = arith.constant 0 : i32
        %dma_start3A_182 = arith.constant 0 : i32
        %dma_start3A_183 = tpu.memref_slice %arg7[%dma_start3A_174, %dma_start3A_181, %dma_start3A_182] : memref<2x32x1024xf32, #tpu.memory_space<vmem>> -> memref<1x32x1024xf32, #tpu.memory_space<vmem>>
        %dma_start3A_184 = tpu.memref_squeeze %dma_start3A_183 : memref<1x32x1024xf32, #tpu.memory_space<vmem>> -> memref<32x1024xf32, #tpu.memory_space<vmem>>
        %dma_start3A_185 = arith.constant 0 : i32
        %dma_start3A_186 = tpu.memref_slice %arg2[%add3A_173, %dma_start3A_185] : memref<32768x1024xf32, #tpu.memory_space<hbm>> -> memref<32x1024xf32, #tpu.memory_space<hbm>>
        tpu.enqueue_dma source(%dma_start3A_186 : memref<32x1024xf32, #tpu.memory_space<hbm>>) target(%dma_start3A_184 : memref<32x1024xf32, #tpu.memory_space<vmem>>) target_semaphore(%arg8 : memref<!tpu.dma_semaphore, #tpu.memory_space<semaphore_mem>>)
      } else {
      }
      %mul3A_110 = arith.constant 2 : i32
      %mul3A_111 = arith.muli %add3A_69, %mul3A_110 : i32
      %add3A_112 = arith.constant 1 : i32
      %add3A_113 = arith.addi %mul3A_111, %add3A_112 : i32
      %mul3A_114 = arith.constant 32 : i32
      %mul3A_115 = arith.muli %add3A_113, %mul3A_114 : i32
      %add3A_116 = arith.addi %mul3A_2, %mul3A_115 : i32
      %dma_wait3A_117 = arith.constant 1 : i32
      %dma_wait3A_118 = arith.constant 0 : i32
      %dma_wait3A_119 = arith.constant 0 : i32
      %dma_wait3A_120 = tpu.memref_slice %arg7[%dma_wait3A_117, %dma_wait3A_118, %dma_wait3A_119] : memref<2x32x1024xf32, #tpu.memory_space<vmem>> -> memref<1x32x1024xf32, #tpu.memory_space<vmem>>
      %dma_wait3A_121 = tpu.memref_squeeze %dma_wait3A_120 : memref<1x32x1024xf32, #tpu.memory_space<vmem>> -> memref<32x1024xf32, #tpu.memory_space<vmem>>
      %dma_wait3A_122 = arith.constant 0 : i32
      %dma_wait3A_123 = tpu.memref_slice %arg2[%add3A_116, %dma_wait3A_122] : memref<32768x1024xf32, #tpu.memory_space<hbm>> -> memref<32x1024xf32, #tpu.memory_space<hbm>>
      %dma_wait3A_124 = arith.constant 0 : i32
      %dma_wait3A_125 = arith.constant 0 : i32
      %dma_wait3A_126 = tpu.memref_slice %arg7[%dma_wait3A_117, %dma_wait3A_124, %dma_wait3A_125] : memref<2x32x1024xf32, #tpu.memory_space<vmem>> -> memref<1x32x1024xf32, #tpu.memory_space<vmem>>
      %dma_wait3A_127 = tpu.memref_squeeze %dma_wait3A_126 : memref<1x32x1024xf32, #tpu.memory_space<vmem>> -> memref<32x1024xf32, #tpu.memory_space<vmem>>
      %dma_wait3A_128 = arith.constant 0 : i32
      %dma_wait3A_129 = tpu.memref_slice %arg2[%add3A_116, %dma_wait3A_128] : memref<32768x1024xf32, #tpu.memory_space<hbm>> -> memref<32x1024xf32, #tpu.memory_space<hbm>>
      tpu.wait_dma2 semaphore(%arg9 : memref<!tpu.dma_semaphore, #tpu.memory_space<semaphore_mem>>) src(%dma_wait3A_129 : memref<32x1024xf32, #tpu.memory_space<hbm>>) dst(%dma_wait3A_127 : memref<32x1024xf32, #tpu.memory_space<vmem>>)
      %mul3A_130 = arith.constant 32 : i32
      %mul3A_131 = arith.muli %add3A_113, %mul3A_130 : i32
      %add3A_132 = arith.addi %mul3A_2, %mul3A_131 : i32
      %dma_start3A_133 = arith.constant 1 : i32
      %dma_start3A_134 = arith.constant 0 : i32
      %dma_start3A_135 = arith.constant 0 : i32
      %dma_start3A_136 = tpu.memref_slice %arg7[%dma_start3A_133, %dma_start3A_134, %dma_start3A_135] : memref<2x32x1024xf32, #tpu.memory_space<vmem>> -> memref<1x32x1024xf32, #tpu.memory_space<vmem>>
      %dma_start3A_137 = tpu.memref_squeeze %dma_start3A_136 : memref<1x32x1024xf32, #tpu.memory_space<vmem>> -> memref<32x1024xf32, #tpu.memory_space<vmem>>
      %dma_start3A_138 = arith.constant 0 : i32
      %dma_start3A_139 = tpu.memref_slice %arg6[%add3A_132, %dma_start3A_138] : memref<32768x1024xf32, #tpu.memory_space<hbm>> -> memref<32x1024xf32, #tpu.memory_space<hbm>>
      %dma_start3A_140 = arith.constant 0 : i32
      %dma_start3A_141 = tpu.memref_slice %arg6[%add3A_132, %dma_start3A_140] : memref<32768x1024xf32, #tpu.memory_space<hbm>> -> memref<32x1024xf32, #tpu.memory_space<hbm>>
      %dma_start3A_142 = arith.constant 0 : i32
      %dma_start3A_143 = arith.constant 0 : i32
      %dma_start3A_144 = tpu.memref_slice %arg7[%dma_start3A_133, %dma_start3A_142, %dma_start3A_143] : memref<2x32x1024xf32, #tpu.memory_space<vmem>> -> memref<1x32x1024xf32, #tpu.memory_space<vmem>>
      %dma_start3A_145 = tpu.memref_squeeze %dma_start3A_144 : memref<1x32x1024xf32, #tpu.memory_space<vmem>> -> memref<32x1024xf32, #tpu.memory_space<vmem>>
      tpu.enqueue_dma source(%dma_start3A_145 : memref<32x1024xf32, #tpu.memory_space<vmem>>) target(%dma_start3A_141 : memref<32x1024xf32, #tpu.memory_space<hbm>>) target_semaphore(%arg11 : memref<!tpu.dma_semaphore, #tpu.memory_space<semaphore_mem>>)
      %add3A_146 = arith.constant 2 : i32
      %add3A_147 = arith.addi %add3A_113, %add3A_146 : i32
      %lt3A_148 = arith.constant 32 : i32
      %lt3A_149 = arith.cmpi slt, %add3A_147, %lt3A_148 : i32
      %convert_element_type3A_150 = arith.extui %lt3A_149 : i1 to i32
      %cond3A_151 = arith.constant 0 : i32
      %cond3A_152 = arith.cmpi ne, %convert_element_type3A_150, %cond3A_151 : i32
      scf.if %cond3A_152 {
        %mul3A_153 = arith.constant 32 : i32
        %mul3A_154 = arith.muli %add3A_113, %mul3A_153 : i32
        %add3A_155 = arith.addi %mul3A_2, %mul3A_154 : i32
        %dma_wait3A_156 = arith.constant 1 : i32
        %dma_wait3A_157 = arith.constant 0 : i32
        %dma_wait3A_158 = arith.constant 0 : i32
        %dma_wait3A_159 = tpu.memref_slice %arg7[%dma_wait3A_156, %dma_wait3A_157, %dma_wait3A_158] : memref<2x32x1024xf32, #tpu.memory_space<vmem>> -> memref<1x32x1024xf32, #tpu.memory_space<vmem>>
        %dma_wait3A_160 = tpu.memref_squeeze %dma_wait3A_159 : memref<1x32x1024xf32, #tpu.memory_space<vmem>> -> memref<32x1024xf32, #tpu.memory_space<vmem>>
        %dma_wait3A_161 = arith.constant 0 : i32
        %dma_wait3A_162 = tpu.memref_slice %arg6[%add3A_155, %dma_wait3A_161] : memref<32768x1024xf32, #tpu.memory_space<hbm>> -> memref<32x1024xf32, #tpu.memory_space<hbm>>
        %dma_wait3A_163 = arith.constant 0 : i32
        %dma_wait3A_164 = tpu.memref_slice %arg6[%add3A_155, %dma_wait3A_163] : memref<32768x1024xf32, #tpu.memory_space<hbm>> -> memref<32x1024xf32, #tpu.memory_space<hbm>>
        %dma_wait3A_165 = arith.constant 0 : i32
        %dma_wait3A_166 = arith.constant 0 : i32
        %dma_wait3A_167 = tpu.memref_slice %arg7[%dma_wait3A_156, %dma_wait3A_165, %dma_wait3A_166] : memref<2x32x1024xf32, #tpu.memory_space<vmem>> -> memref<1x32x1024xf32, #tpu.memory_space<vmem>>
        %dma_wait3A_168 = tpu.memref_squeeze %dma_wait3A_167 : memref<1x32x1024xf32, #tpu.memory_space<vmem>> -> memref<32x1024xf32, #tpu.memory_space<vmem>>
        tpu.wait_dma2 semaphore(%arg11 : memref<!tpu.dma_semaphore, #tpu.memory_space<semaphore_mem>>) src(%dma_wait3A_168 : memref<32x1024xf32, #tpu.memory_space<vmem>>) dst(%dma_wait3A_164 : memref<32x1024xf32, #tpu.memory_space<hbm>>)
        %add3A_169 = arith.constant 2 : i32
        %add3A_170 = arith.addi %add3A_113, %add3A_169 : i32
        %mul3A_171 = arith.constant 32 : i32
        %mul3A_172 = arith.muli %add3A_170, %mul3A_171 : i32
        %add3A_173 = arith.addi %mul3A_2, %mul3A_172 : i32
        %dma_start3A_174 = arith.constant 1 : i32
        %dma_start3A_175 = arith.constant 0 : i32
        %dma_start3A_176 = arith.constant 0 : i32
        %dma_start3A_177 = tpu.memref_slice %arg7[%dma_start3A_174, %dma_start3A_175, %dma_start3A_176] : memref<2x32x1024xf32, #tpu.memory_space<vmem>> -> memref<1x32x1024xf32, #tpu.memory_space<vmem>>
        %dma_start3A_178 = tpu.memref_squeeze %dma_start3A_177 : memref<1x32x1024xf32, #tpu.memory_space<vmem>> -> memref<32x1024xf32, #tpu.memory_space<vmem>>
        %dma_start3A_179 = arith.constant 0 : i32
        %dma_start3A_180 = tpu.memref_slice %arg2[%add3A_173, %dma_start3A_179] : memref<32768x1024xf32, #tpu.memory_space<hbm>> -> memref<32x1024xf32, #tpu.memory_space<hbm>>
        %dma_start3A_181 = arith.constant 0 : i32
        %dma_start3A_182 = arith.constant 0 : i32
        %dma_start3A_183 = tpu.memref_slice %arg7[%dma_start3A_174, %dma_start3A_181, %dma_start3A_182] : memref<2x32x1024xf32, #tpu.memory_space<vmem>> -> memref<1x32x1024xf32, #tpu.memory_space<vmem>>
        %dma_start3A_184 = tpu.memref_squeeze %dma_start3A_183 : memref<1x32x1024xf32, #tpu.memory_space<vmem>> -> memref<32x1024xf32, #tpu.memory_space<vmem>>
        %dma_start3A_185 = arith.constant 0 : i32
        %dma_start3A_186 = tpu.memref_slice %arg2[%add3A_173, %dma_start3A_185] : memref<32768x1024xf32, #tpu.memory_space<hbm>> -> memref<32x1024xf32, #tpu.memory_space<hbm>>
        tpu.enqueue_dma source(%dma_start3A_186 : memref<32x1024xf32, #tpu.memory_space<hbm>>) target(%dma_start3A_184 : memref<32x1024xf32, #tpu.memory_space<vmem>>) target_semaphore(%arg9 : memref<!tpu.dma_semaphore, #tpu.memory_space<semaphore_mem>>)
      } else {
      }
    }
    %scan3A_35 = arith.constant 16 : i32
    %add3A_36 = arith.constant 960 : i32
    %add3A_37 = arith.addi %mul3A_2, %add3A_36 : i32
    %dma_wait3A = arith.constant 0 : i32
    %dma_wait3A_38 = arith.constant 0 : i32
    %dma_wait3A_39 = arith.constant 0 : i32
    %dma_wait3A_40 = tpu.memref_slice %arg7[%dma_wait3A, %dma_wait3A_38, %dma_wait3A_39] : memref<2x32x1024xf32, #tpu.memory_space<vmem>> -> memref<1x32x1024xf32, #tpu.memory_space<vmem>>
    %dma_wait3A_41 = tpu.memref_squeeze %dma_wait3A_40 : memref<1x32x1024xf32, #tpu.memory_space<vmem>> -> memref<32x1024xf32, #tpu.memory_space<vmem>>
    %dma_wait3A_42 = arith.constant 0 : i32
    %dma_wait3A_43 = tpu.memref_slice %arg6[%add3A_37, %dma_wait3A_42] : memref<32768x1024xf32, #tpu.memory_space<hbm>> -> memref<32x1024xf32, #tpu.memory_space<hbm>>
    %dma_wait3A_44 = arith.constant 0 : i32
    %dma_wait3A_45 = tpu.memref_slice %arg6[%add3A_37, %dma_wait3A_44] : memref<32768x1024xf32, #tpu.memory_space<hbm>> -> memref<32x1024xf32, #tpu.memory_space<hbm>>
    %dma_wait3A_46 = arith.constant 0 : i32
    %dma_wait3A_47 = arith.constant 0 : i32
    %dma_wait3A_48 = tpu.memref_slice %arg7[%dma_wait3A, %dma_wait3A_46, %dma_wait3A_47] : memref<2x32x1024xf32, #tpu.memory_space<vmem>> -> memref<1x32x1024xf32, #tpu.memory_space<vmem>>
    %dma_wait3A_49 = tpu.memref_squeeze %dma_wait3A_48 : memref<1x32x1024xf32, #tpu.memory_space<vmem>> -> memref<32x1024xf32, #tpu.memory_space<vmem>>
    tpu.wait_dma2 semaphore(%arg10 : memref<!tpu.dma_semaphore, #tpu.memory_space<semaphore_mem>>) src(%dma_wait3A_49 : memref<32x1024xf32, #tpu.memory_space<vmem>>) dst(%dma_wait3A_45 : memref<32x1024xf32, #tpu.memory_space<hbm>>)
    %add3A_50 = arith.constant 992 : i32
    %add3A_51 = arith.addi %mul3A_2, %add3A_50 : i32
    %dma_wait3A_52 = arith.constant 1 : i32
    %dma_wait3A_53 = arith.constant 0 : i32
    %dma_wait3A_54 = arith.constant 0 : i32
    %dma_wait3A_55 = tpu.memref_slice %arg7[%dma_wait3A_52, %dma_wait3A_53, %dma_wait3A_54] : memref<2x32x1024xf32, #tpu.memory_space<vmem>> -> memref<1x32x1024xf32, #tpu.memory_space<vmem>>
    %dma_wait3A_56 = tpu.memref_squeeze %dma_wait3A_55 : memref<1x32x1024xf32, #tpu.memory_space<vmem>> -> memref<32x1024xf32, #tpu.memory_space<vmem>>
    %dma_wait3A_57 = arith.constant 0 : i32
    %dma_wait3A_58 = tpu.memref_slice %arg6[%add3A_51, %dma_wait3A_57] : memref<32768x1024xf32, #tpu.memory_space<hbm>> -> memref<32x1024xf32, #tpu.memory_space<hbm>>
    %dma_wait3A_59 = arith.constant 0 : i32
    %dma_wait3A_60 = tpu.memref_slice %arg6[%add3A_51, %dma_wait3A_59] : memref<32768x1024xf32, #tpu.memory_space<hbm>> -> memref<32x1024xf32, #tpu.memory_space<hbm>>
    %dma_wait3A_61 = arith.constant 0 : i32
    %dma_wait3A_62 = arith.constant 0 : i32
    %dma_wait3A_63 = tpu.memref_slice %arg7[%dma_wait3A_52, %dma_wait3A_61, %dma_wait3A_62] : memref<2x32x1024xf32, #tpu.memory_space<vmem>> -> memref<1x32x1024xf32, #tpu.memory_space<vmem>>
    %dma_wait3A_64 = tpu.memref_squeeze %dma_wait3A_63 : memref<1x32x1024xf32, #tpu.memory_space<vmem>> -> memref<32x1024xf32, #tpu.memory_space<vmem>>
    tpu.wait_dma2 semaphore(%arg11 : memref<!tpu.dma_semaphore, #tpu.memory_space<semaphore_mem>>) src(%dma_wait3A_64 : memref<32x1024xf32, #tpu.memory_space<vmem>>) dst(%dma_wait3A_60 : memref<32x1024xf32, #tpu.memory_space<hbm>>)
    return
  }
}

</mosaic_0001>

<sc_bundles>
// kernel: kernel.3.cloned.1.call-start
scs
__scs_entry_jumppad:
0x0: {  	(pc) =	sbr.rel $0x88, $3  }
0x1: {  	(tag) =	ssettag $0x0;
	lr =	simm.s32 $0x1  }
0x2: {  	[smem:$0x3F9E] =	sst lr;
	_ =	strace $0xD0000000  }
0x3: {  	_ = 	snop  }
0x4: {  	_ = 	snop  }
0x5: {  	_ = 	snop  }
0x6: {  	_ = 	snop  }
0x7: {  	_ = 	snop  }
__scs_overlays_trampoline_lowered:
0x8: {  	[smem:$0x3FAD] =	sst s0  }
0x9: {  	[smem:$0x3FAE] =	sst s1  }
0xa: {  	[smem:$0x3FAF] =	sst s2  }
0xb: {  	[smem:$0x3FB0] =	sst s3  }
0xc: {  	[smem:$0x3FB1] =	sst s4  }
0xd: {  	[smem:$0x3FB2] =	sst s5  }
0xe: {  	[smem:$0x3FB3] =	sst s6  }
0xf: {  	[smem:$0x3FB4] =	sst s7  }
0x10: {  	[smem:$0x3FB5] =	sst s8  }
0x11: {  	[smem:$0x3FB6] =	sst s9;
	s0 =	simm.s32 @!p0 $0x0  }
0x12: {  	s1 =	sld [smem:$0x3F9C];
	s0 =	simm.s32 @p0 $0x1  }
0x13: {  	[smem:$0x3FB7] =	sst s0;
	s0 =	simm.s32 @!p1 $0x0  }
0x14: {  	s2 =	sld [smem:$0x3F9B];
	s0 =	simm.s32 @p1 $0x1  }
0x15: {  	[smem:$0x3FB8] =	sst s0;
	s0 =	simm.s32 @!p2 $0x0  }
0x16: {  	s3 =	sld [smem:$0x3FDB];
	s0 =	simm.s32 @p2 $0x1  }
0x17: {  	s4 =	simm.s32 $0x1BF5;
	[smem:$0x3FBA] =	sst s0  }
0x18: {  	s0 =	sld [smem:$0x3F9D];
	_ =	swait.ge [sflag:s4], $0x0  }
0x19: {  	s7 =	sld [smem:$0x3F9E]  }
0x1a: {  	s8 =	sadd.s32 $0xFFFFE003, lr  }
0x1b: {  	s9 =	sadd.s32 $0xFFFFFEF7, lr;
	s5 =	simm.s32 $0xFFFFFFFF;
	p2 =	slt.u32 s8, $0xFFFFF086  }
0x1c: {  	p1 =	slt.u32 s9, $0xF7A;
	s5 =	simm.s32 @!p2 $0x0  }
0x1d: {  	s5 =	simm.s32 @p1 $0x1;
	p0 =	seq.s32 s7, s2  }
0x1e: {  	s7 =	smul.u32 @!p0 $0xF7A, s2;
	p2 =	seq.s32 @!p0 s5, $0x0  }
0x1f: {  	s9 =	smul.u32 $0xF7A, s1;
	s8 =	simm.s32 @!p0 $0x1BF5;
	p2 =	por !p2, p0  }
0x20: {  	[sflag:s8] =	ssyncset.s32 @!p0 $0xFFFFF086;
	s6 =	sadd.s32 @!p0 s3, s7;
	s7 =	simm.s32 @!p0 $0x108  }
0x21: {  	s3 =	sadd.s32 s3, s9;
	s6 =	sadd.s32 @!p0 $0x88, s6;
	s7 =	simm.s32 @p2 $0x1082  }
0x22: {  	[simem:s7], [sflag:s8] =	dma.local @!p0 [hbm:s6], $0xF7A  }
0x23: {  	s9 =	sor.u32 $0xD0000000, s2;
	s6 =	simm.s32 $0x108;
	_ =	swait.ge @!p0 [sflag:s8], $0x0  }
0x24: {  	s3 =	sadd.s32 $0x88, s3;
	s6 =	simm.s32 @!p1 $0x1082;
	[sflag:s4] =	ssyncset.s32 $0xFFFFF086  }
0x25: {  	[simem:s6], [sflag:s4] =	dma.local [hbm:s3], $0xF7A  }
0x26: {  	[smem:$0x3F9E] =	sst s1;
	(tag) =	ssettag s2;
	_ =	strace s9  }
0x27: {  	s1 =	sld [smem:$0x3FAE]  }
0x28: {  	s2 =	sld [smem:$0x3FAF]  }
0x29: {  	s4 =	sld [smem:$0x3FB1]  }
0x2a: {  	p0 =	seq.s32 s5, $0x0;
	s5 =	sld [smem:$0x3FB2]  }
0x2b: {  	s6 =	sld [smem:$0x3FB3]  }
0x2c: {  	s7 =	sld [smem:$0x3FB4]  }
0x2d: {  	s3 =	simm.s32 $0x108;
	s8 =	sld [smem:$0x3FB5]  }
0x2e: {  	s3 =	simm.s32 @!p0 $0x1082;
	s9 =	sld [smem:$0x3FB6]  }
0x2f: {  	lr =	sadd.s32 s0, s3;
	s0 =	sld [smem:$0x3FAD]  }
0x30: {  	s3 =	sld [smem:$0x3FB0]  }
0x31: {  	[smem:$0x3FB9] =	sst s10  }
0x32: {  	s10 =	sld [smem:$0x3FB7];
	_ =	sdelay $0x3  }
0x33: {  	p0 =	seq.s32 s10, $0x1;
	s10 =	sld [smem:$0x3FB9];
	_ =	sdelay $0x3  }
0x34: {  	[smem:$0x3FB9] =	sst s10  }
0x35: {  	s10 =	sld [smem:$0x3FB8];
	_ =	sdelay $0x3  }
0x36: {  	p1 =	seq.s32 s10, $0x1;
	s10 =	sld [smem:$0x3FB9];
	_ =	sdelay $0x3  }
0x37: {  	[smem:$0x3FB9] =	sst s10  }
0x38: {  	s10 =	sld [smem:$0x3FBA]  }
0x39: {  	_ = 	snop;
	(pc) =	sbr.ind lr, $3  }
0x3a: {  	_ = 	snop  }
0x3b: {  	_ = 	snop  }
0x3c: {  	p2 =	seq.s32 s10, $0x1;
	s10 =	sld [smem:$0x3FB9]  }
0x3d: {  	_ =	shalt  }
0x3e: {  	_ =	shalt  }
0x3f: {  	_ =	shalt  }
0x40: {  	_ =	shalt  }
0x41: {  	_ =	shalt  }
0x42: {  	_ =	shalt  }
0x43: {  	_ =	shalt  }
0x44: {  	_ =	shalt  }
0x45: {  	_ =	shalt  }
0x46: {  	_ =	shalt  }
0x47: {  	_ =	shalt  }
0x48: {  	_ =	shalt  }
0x49: {  	_ =	shalt  }
0x4a: {  	_ =	shalt  }
0x4b: {  	_ =	shalt  }
0x4c: {  	_ =	shalt  }
0x4d: {  	_ =	shalt  }
0x4e: {  	_ =	shalt  }
0x4f: {  	_ =	shalt  }
0x50: {  	_ =	shalt  }
0x51: {  	_ =	shalt  }
0x52: {  	_ =	shalt  }
0x53: {  	_ =	shalt  }
0x54: {  	_ =	shalt  }
0x55: {  	_ =	shalt  }
0x56: {  	_ =	shalt  }
0x57: {  	_ =	shalt  }
0x58: {  	_ =	shalt  }
0x59: {  	_ =	shalt  }
0x5a: {  	_ =	shalt  }
0x5b: {  	_ =	shalt  }
0x5c: {  	_ =	shalt  }
0x5d: {  	_ =	shalt  }
0x5e: {  	_ =	shalt  }
0x5f: {  	_ =	shalt  }
0x60: {  	_ =	shalt  }
0x61: {  	_ =	shalt  }
0x62: {  	_ =	shalt  }
0x63: {  	_ =	shalt  }
0x64: {  	_ =	shalt  }
0x65: {  	_ =	shalt  }
0x66: {  	_ =	shalt  }
0x67: {  	_ =	shalt  }
0x68: {  	_ =	shalt  }
0x69: {  	_ =	shalt  }
0x6a: {  	_ =	shalt  }
0x6b: {  	_ =	shalt  }
0x6c: {  	_ =	shalt  }
0x6d: {  	_ =	shalt  }
0x6e: {  	_ =	shalt  }
0x6f: {  	_ =	shalt  }
0x70: {  	_ =	shalt  }
0x71: {  	_ =	shalt  }
0x72: {  	_ =	shalt  }
0x73: {  	_ =	shalt  }
0x74: {  	_ =	shalt  }
0x75: {  	_ =	shalt  }
0x76: {  	_ =	shalt  }
0x77: {  	_ =	shalt  }
0x78: {  	_ =	shalt  }
0x79: {  	_ =	shalt  }
0x7a: {  	_ =	shalt  }
0x7b: {  	_ =	shalt  }
0x7c: {  	_ =	shalt  }
0x7d: {  	_ =	shalt  }
0x7e: {  	_ =	shalt  }
0x7f: {  	_ =	shalt  }
0x80: {  	_ =	shalt  }
0x81: {  	_ =	shalt  }
0x82: {  	_ =	shalt  }
0x83: {  	_ =	shalt  }
0x84: {  	_ =	shalt  }
0x85: {  	_ =	shalt  }
0x86: {  	_ =	shalt  }
0x87: {  	_ =	shalt  }
.Lfunc_end0:
.L_simem_size_0:
called_computation.1_lowered:
.L_overlay_start_0:
0x88: {  	s2 =	sld [smem:$0x3FD9]  }
0x89: {  	s3 =	sld [smem:$0x3FFE];
	_ =	sdelay $0x1  }
0x8a: {  	s1 =	srdreg.scid  }
0x8b: {  	s0 =	sand.u32 $0x1, s1  }
0x8c: {  	s17 =	sshll.u32 s0, $0xA;
	s2 =	sadd.s32 s3, s2  }
0x8d: {  	s2 =	sadd.s32 s2, s17  }
0x8e: {  	[smem:$0x3FC5] =	sst s2  }
0x8f: {  	_ = 	snop  }
0x90: {  	s2 =	sld [smem:$0x3FD0];
	(tm) =	ssettm $0x1  }
0x91: {  	s18 =	sld [smem:$0x3FFB];
	_ =	sdelay $0x3  }
0x92: {  	_ =	strace s18  }
0x93: {  	s3 =	sld [smem:$0x3FFC];
	_ =	sdelay $0x3  }
0x94: {  	_ =	strace s3  }
0x95: {  	s3 =	sld [smem:$0x3FFD];
	_ =	sdelay $0x3  }
0x96: {  	_ =	strace s3  }
0x97: {  	_ =	strace $0x8FFFFFFF  }
0x98: {  	s19 =	sld [smem:$0x3FDB];
	_ =	sdelay $0x1  }
0x99: {  	s4 =	simm.s32 $_scs_section_size  }
0x9a: {  	s5 =	simm.s32 $_size__tile_overlayer_lowered;
	s6 =	simm.s32 $_tile_overlayer_lowered  }
0x9b: {  	s22 =	simm.s32 $0x1BFF;
	s21 =	sshll.u32 s6, $0x1;
	s3 =	sadd.s32 s4, s19  }
0x9c: {  	s7 =	simm.s32 $0x0;
	s20 =	sshll.u32 s5, $0x1;
	s5 =	sadd.s32 s21, s3  }
0x9d: {  	[timem:s7], [sflag:s22] =	dma.local [hbm:s5], s20  }
0x9e: {  	_ =	swait.ge [sflag:s22], s20  }
0x9f: {  	s4 =	ssub.s32 $0x0, s20;
	[sflag:s22] =	ssyncset.done $0x0  }
0xa0: {  	[sflag:s22] =	ssyncadd.s32 s4;
	_ =	sdelay $0x1  }
0xa1: {  	s23 =	simm.s32 $0x1B8B  }
0xa2: {  	_ =	swait.ge [sflag:s23], $0x1  }
0xa3: {  	[sflag:s23] =	ssyncset.done $0x0  }
0xa4: {  	s25 =	simm.s32 $0x1B8E;
	s24 =	sld [smem:$0x3FFE];
	[sflag:s23] =	ssyncadd.s32 $0xFFFFFFFF  }
0xa5: {  	s26 =	simm.s32 $execute0_lowered;
	[smem:$0x3FD2] =	sst s25  }
0xa6: {  	s5 =	sshll.u32 s26, $0x1;
	_ =	strace $0x80000049;
	[dreg:$0x1] =	wrdreg $0xFFFFFFFF  }
0xa7: {  	s28 =	simm.s32 $_size_execute0_lowered;
	s3 =	sadd.s32 s3, s5;
	[dreg:$0x0] =	wrdreg $0x0  }
0xa8: {  	s5 =	sshll.u32 s28, $0x1;
	[dreg:$0x2] =	wrdreg s3  }
0xa9: {  	[dreg:$0x3] =	wrdreg s5  }
0xaa: {  	[dreg:$0x4] =	wrdreg $0xC0  }
0xab: {  	_ =	task [dreg:s7], $0x5FFFF  }
0xac: {  	[dreg:$0x1] =	wrdreg $0xFFFFFFFF  }
0xad: {  	[dreg:$0x0] =	wrdreg $0x60  }
0xae: {  	[dreg:$0x2] =	wrdreg s2  }
0xaf: {  	[dreg:$0x3] =	wrdreg s24  }
0xb0: {  	[dreg:$0x4] =	wrdreg $0x9  }
0xb1: {  	_ =	task.clear_ibuf [dreg:s7], $0x5FFFF;
	_ =	strace $0x90000049  }
0xb2: {  	s29 =	simm.s32 $0x9;
	_ =	strace $0x8000004B  }
0xb3: {  	_ =	swait.ge [sflag:s29], $0x1  }
0xb4: {  	[sflag:s29] =	ssyncadd.s32 $0xFFFFFFFF  }
0xb5: {  	_ =	strace $0x9000004B  }
0xb6: {  	_ =	sfence  }
0xb7: {  	s30 =	sld [smem:$0x0];
	_ =	sdelay $0x2  }
0xb8: {  	s31 =	sshll.u32 s1, $0xD;
	s1 =	sshrl.u32 s1, $0x2  }
0xb9: {  	s3 =	sand.u32 $0x4000, s31;
	s1 =	sadd.s32 s1, s30  }
0xba: {  	s0 =	sor.u32 s3, s0;
	s1 =	sshll.u32 s1, $0x11  }
0xbb: {  	s0 =	sor.u32 s1, s0  }
0xbc: {  	s0 =	sadd.s32 $0x8F2B, s0  }
0xbd: {  	[sflag:s0] =	ssyncadd.remote.s32 $0x1  }
0xbe: {  	_ =	sfence.sel $0xFFFF  }
0xbf: {  	[dreg:$0x0] =	wrdreg $0xFFFFFFFF;
	(pc) =	sbr.abs _section_cstart, $3  }
0xc0: {  	[dreg:$0x1] =	wrdreg $0xFFFFFFFF  }
0xc1: {  	_ =	task.clear_ibuf [dreg:s7], $0x2FFFF;
	_ =	strace $0x9FFFFFFF  }
0xc2: {  	(tm) =	ssettm $0x7FFFFFFF  }
0xc3: {  	_ =	shalt  }
tec
execute0_lowered:
.L_overlay_start_1:
0x0: {  	(tag) =	ssettag $0x1  }
0x1: {  	s7 =	rddreg [dreg:$0x0]  }
0x2: {  	s3 =	rddreg [dreg:$0x1]  }
0x3: {  	s0 =	rddreg [dreg:$0x2];
	s2 =	simm.s32 $0x0;
	s4 =	srdreg.scid  }
0x4: {  	s1 =	stileid.u32;
	s13 =	simm.s32 $0x2;
	s14 =	simm.s32 $0x4  }
0x5: {  	s15 =	simm.s32 $0x0;
	[smem:$0x7FF] =	sst s2;
	s4 =	sand.u32 $0x1, s4  }
0x6: {  	s9 =	sshll.u32 s1, $0x11;
	s10 =	sadd.s32 $0xE800, s3;
	s5 =	ssub.s32 $0x2, s4  }
0x7: {  	s8 =	sshll.u32 s4, $0x15;
	_ =	strace $0x8000004A;
	s31 =	sshrl.u32 s5, $0x1  }
0x8: {  	s6 =	sor.u32 s9, s8;
	s12 =	sadd.s32 s8, s7;
	s5 =	ssub.s32 s5, s31  }
0x9: {  	s3 =	sadd.s32 s7, s6;
	s11 =	sadd.s32 s10, s6;
	s10 =	sadd.s32 s8, s10  }
0xa: {  	s4 =	sadd.s32 $0x1000, s3;
	s5 =	smax.u32 s5, $0x1;
	s6 =	sadd.s32 $0x1E000, s11  }
0xb: {  	s7 =	sadd.s32 $0x1F000, s11;
	s8 =	sadd.s32 s9, s10;
	s9 =	sadd.s32 s9, s12  }
0xc: {  	s10 =	simm.s32 $0x8000;
	s11 =	simm.s32 $0x1;
	s12 =	simm.s32 $0x3  }
.LBB2_1:
0xd: {  	[tilespmem:s2], [sflag:$0x1] =	stream.linear.gather [hbm4b:s3+s2], $0x8000, $0x38;
	[tilespmem:$0x10000] =	vst v63  }
0xe: {  	_ = 	snop  }
0xf: {  	[tilespmem:s10], [sflag:$0x2] =	stream.linear.gather [hbm4b:s4+s2], $0x8000, $0x38;
	[tilespmem:$0x10000] =	vst v63  }
0x10: {  	_ =	swait.ge [sflag:s11], $0x8000  }
0x11: {  	[sflag:s11] =	ssyncset.done $0x0  }
0x12: {  	s16 =	sadd.s32 $0x0, s8;
	[sflag:s11] =	ssyncadd.s32 $0xFFFF8000  }
0x13: {  	[hbm4b:s16+s2] =	stream.linear.scatter [tilespmem:s2], [sflag:$0x3], $0x8000, $0x38;
	[tilespmem:$0x10000] =	vst v63  }
0x14: {  	_ =	swait.ge [sflag:s12], $0x8000  }
0x15: {  	s17 =	sadd.s32 $0x0, s9;
	[sflag:s12] =	ssyncset.done $0x0  }
0x16: {  	s18 =	sadd.s32 $0x2000, s17;
	[sflag:s12] =	ssyncadd.s32 $0xFFFF8000  }
0x17: {  	[tilespmem:s2], [sflag:$0x1] =	stream.linear.gather [hbm4b:s18+s2], $0x8000, $0x38;
	[tilespmem:$0x10000] =	vst v63  }
0x18: {  	_ =	swait.ge [sflag:s13], $0x8000  }
0x19: {  	[sflag:s13] =	ssyncset.done $0x0  }
0x1a: {  	s16 =	sadd.s32 $0x1000, s16;
	[sflag:s13] =	ssyncadd.s32 $0xFFFF8000  }
0x1b: {  	[hbm4b:s16+s2] =	stream.linear.scatter [tilespmem:s10], [sflag:$0x4], $0x8000, $0x38;
	[tilespmem:$0x10000] =	vst v63  }
0x1c: {  	_ =	swait.ge [sflag:s14], $0x8000  }
0x1d: {  	[sflag:s14] =	ssyncset.done $0x0  }
0x1e: {  	s17 =	sadd.s32 $0x3000, s17;
	s16 =	simm.s32 $0x2000;
	[sflag:s14] =	ssyncadd.s32 $0xFFFF8000  }
.LBB2_2:
0x1f: {  	[tilespmem:s10], [sflag:$0x2] =	stream.linear.gather [hbm4b:s17+s2], $0x8000, $0x38;
	[tilespmem:$0x10000] =	vst v63  }
0x20: {  	s17 =	smov.u32 s16  }
0x21: {  	p0 =	sne.s32 s16, $0x1C000;
	s16 =	sadd.s32 $0x2000, s16;
	_ =	swait.ge [sflag:s11], $0x8000  }
0x22: {  	[sflag:s11] =	ssyncset.done $0x0  }
0x23: {  	s18 =	sadd.s32 s17, s8;
	[sflag:s11] =	ssyncadd.s32 $0xFFFF8000  }
0x24: {  	[hbm4b:s18+s2] =	stream.linear.scatter [tilespmem:s2], [sflag:$0x3], $0x8000, $0x38;
	[tilespmem:$0x10000] =	vst v63  }
0x25: {  	_ =	swait.ge [sflag:s12], $0x8000  }
0x26: {  	s17 =	sadd.s32 s17, s9;
	[sflag:s12] =	ssyncset.done $0x0  }
0x27: {  	s19 =	sadd.s32 $0x2000, s17;
	[sflag:s12] =	ssyncadd.s32 $0xFFFF8000  }
0x28: {  	[tilespmem:s2], [sflag:$0x1] =	stream.linear.gather [hbm4b:s19+s2], $0x8000, $0x38;
	[tilespmem:$0x10000] =	vst v63  }
0x29: {  	_ =	swait.ge [sflag:s13], $0x8000  }
0x2a: {  	[sflag:s13] =	ssyncset.done $0x0  }
.Ltmp0:
0x2b: {  	s18 =	sadd.s32 $0x1000, s18;
	[sflag:s13] =	ssyncadd.s32 $0xFFFF8000;
	(pc) =	sbr.rel @p0 .LBB2_2-.Ltmp0, $4  }
0x2c: {  	[hbm4b:s18+s2] =	stream.linear.scatter [tilespmem:s10], [sflag:$0x4], $0x8000, $0x38;
	[tilespmem:$0x10000] =	vst v63  }
0x2d: {  	_ =	swait.ge [sflag:s14], $0x8000  }
0x2e: {  	[sflag:s14] =	ssyncset.done $0x0  }
0x2f: {  	s17 =	sadd.s32 $0x3000, s17;
	[sflag:s14] =	ssyncadd.s32 $0xFFFF8000  }
0x30: {  	[tilespmem:s10], [sflag:$0x2] =	stream.linear.gather [hbm4b:s17+s2], $0x8000, $0x38;
	[tilespmem:$0x10000] =	vst v63  }
0x31: {  	_ =	swait.ge [sflag:s11], $0x8000  }
0x32: {  	[sflag:s11] =	ssyncset.done $0x0  }
0x33: {  	[sflag:s11] =	ssyncadd.s32 $0xFFFF8000  }
0x34: {  	[hbm4b:s6+s2] =	stream.linear.scatter [tilespmem:s2], [sflag:$0x3], $0x8000, $0x38;
	[tilespmem:$0x10000] =	vst v63  }
0x35: {  	_ =	swait.ge [sflag:s13], $0x8000  }
0x36: {  	[sflag:s13] =	ssyncset.done $0x0  }
0x37: {  	s15 =	sadd.s32 $0x1, s15;
	[sflag:s13] =	ssyncadd.s32 $0xFFFF8000  }
0x38: {  	[hbm4b:s7+s2] =	stream.linear.scatter [tilespmem:s10], [sflag:$0x4], $0x8000, $0x38;
	[tilespmem:$0x10000] =	vst v63  }
0x39: {  	p0 =	sne.s32 s15, s5;
	_ =	swait.ge [sflag:s12], $0x8000  }
.Ltmp1:
0x3a: {  	[sflag:s12] =	ssyncset.done $0x0;
	(pc) =	sbr.rel @p0 .LBB2_1-.Ltmp1, $4  }
0x3b: {  	[sflag:s12] =	ssyncadd.s32 $0xFFFF8000  }
0x3c: {  	_ =	swait.ge [sflag:s14], $0x8000  }
0x3d: {  	[sflag:s14] =	ssyncset.done $0x0  }
0x3e: {  	[sflag:s14] =	ssyncadd.s32 $0xFFFF8000  }
0x3f: {  	_ =	sfence.sel $0x180000  }
0x40: {  	[bflag:$0x0] =	sbarrier.arrive $0xFFFF  }
0x41: {  	p0 =	sne.s32 s1, $0x0;
	_ =	strace $0x9000004A  }
0x42: {  	s0 =	sadd.s32 @!p0 $0x100000, s0;
	[bflag:$0x2] =	sbarrier.arrive $0xFFFF  }
0x43: {  	[sflag:s0] =	ssyncadd.tile.s32 @!p0 $0x1;
	_ =	shalt  }
.Lfunc_end2:
_tile_overlayer_lowered:
.L_overlay_start_2:
0x44: {  	(tag) =	ssettag $0x2  }
0x45: {  	s0 =	rddreg [dreg:$0x0];
	s2 =	stileid.u32  }
0x46: {  	s1 =	rddreg [dreg:$0x1];
	p0 =	sne.s32 s2, $0x0  }
0x47: {  	s3 =	rddreg [dreg:$0x2];
	[bflag:$0x3] =	sbarrier.arrive $0xFFFF;
	s2 =	simm.s32 @!p0 $0x1C05  }
0x48: {  	[timem:s3], [sflag:s2] =	dma.local @!p0 [hbm:s0], s1  }
0x49: {  	s0 =	simm.s32 @!p0 $0x5  }
0x4a: {  	_ =	swait.ge @!p0 [sflag:s0], s1  }
0x4b: {  	s1 =	ssub.s32 @!p0 $0x0, s1;
	[sflag:s0] =	ssyncset.done @!p0 $0x0  }
0x4c: {  	[sflag:s0] =	ssyncadd.s32 @!p0 s1  }
0x4d: {  	[bflag:$0x3] =	sbarrier.arrive $0xFFFF  }
0x4e: {  	_ =	shalt  }

// kernel: sparse-core-data-format-call.cloned.1.call-start
scs
called_computation_lowered:
.L_overlay_start_0:
0x0: {  	s2 =	sld [smem:$0x3FD9]  }
0x1: {  	s3 =	sld [smem:$0x3FFE];
	_ =	sdelay $0x1  }
0x2: {  	s1 =	srdreg.scid  }
0x3: {  	s0 =	sand.u32 $0x1, s1  }
0x4: {  	s19 =	sshll.u32 s0, $0xA;
	s2 =	sadd.s32 s3, s2  }
0x5: {  	s2 =	sadd.s32 s2, s19  }
0x6: {  	[smem:$0x3FC5] =	sst s2  }
0x7: {  	_ = 	snop  }
0x8: {  	s2 =	sld [smem:$0x3FC9]  }
0x9: {  	s20 =	sld [smem:$0x3FD0];
	(tm) =	ssettm $0x1  }
0xa: {  	s4 =	sld [smem:$0x3FFB];
	_ =	sdelay $0x3  }
0xb: {  	_ =	strace s4  }
0xc: {  	s4 =	sld [smem:$0x3FFC];
	_ =	sdelay $0x3  }
0xd: {  	_ =	strace s4  }
0xe: {  	s4 =	sld [smem:$0x3FFD];
	_ =	sdelay $0x3  }
0xf: {  	_ =	strace s4  }
0x10: {  	_ =	strace $0x8FFFFFFF  }
0x11: {  	s21 =	sld [smem:$0x3FDB];
	_ =	sdelay $0x1  }
0x12: {  	s5 =	simm.s32 $_scs_section_size  }
0x13: {  	s6 =	simm.s32 $_size__tile_overlayer_lowered;
	s7 =	simm.s32 $_tile_overlayer_lowered  }
0x14: {  	s24 =	simm.s32 $0x1BFF;
	s23 =	sshll.u32 s7, $0x1;
	s4 =	sadd.s32 s5, s21  }
0x15: {  	s8 =	simm.s32 $0x0;
	s22 =	sshll.u32 s6, $0x1;
	s6 =	sadd.s32 s23, s4  }
0x16: {  	[timem:s8], [sflag:s24] =	dma.local [hbm:s6], s22  }
0x17: {  	_ =	swait.ge [sflag:s24], s22  }
0x18: {  	s5 =	ssub.s32 $0x0, s22;
	[sflag:s24] =	ssyncset.done $0x0  }
0x19: {  	[sflag:s24] =	ssyncadd.s32 s5;
	_ =	sdelay $0x1  }
0x1a: {  	s25 =	simm.s32 $0x1B8B  }
0x1b: {  	_ =	swait.ge [sflag:s25], $0x1  }
0x1c: {  	[sflag:s25] =	ssyncset.done $0x0  }
0x1d: {  	s26 =	simm.s32 $0x1B8E;
	[sflag:s25] =	ssyncadd.s32 $0xFFFFFFFF  }
0x1e: {  	s27 =	simm.s32 $execute0_lowered;
	[smem:$0x3FD2] =	sst s26  }
0x1f: {  	s5 =	sshll.u32 s27, $0x1;
	_ =	strace $0x80000046;
	[dreg:$0x1] =	wrdreg $0xFFFFFFFF  }
0x20: {  	s28 =	simm.s32 $_size_execute0_lowered;
	s4 =	sadd.s32 s4, s5;
	[dreg:$0x0] =	wrdreg $0x0  }
0x21: {  	s5 =	sshll.u32 s28, $0x1;
	[dreg:$0x2] =	wrdreg s4  }
0x22: {  	[dreg:$0x3] =	wrdreg s5  }
0x23: {  	[dreg:$0x4] =	wrdreg $0xC0  }
0x24: {  	_ =	task [dreg:s8], $0x5FFFF  }
0x25: {  	[dreg:$0x1] =	wrdreg $0xFFFFFFFF  }
0x26: {  	[dreg:$0x0] =	wrdreg $0x60  }
0x27: {  	[dreg:$0x2] =	wrdreg s2  }
0x28: {  	[dreg:$0x3] =	wrdreg s20  }
0x29: {  	[dreg:$0x4] =	wrdreg $0x9  }
0x2a: {  	_ =	task.clear_ibuf [dreg:s8], $0x5FFFF;
	_ =	strace $0x90000046  }
0x2b: {  	s29 =	simm.s32 $0x9;
	_ =	strace $0x80000048  }
0x2c: {  	_ =	swait.ge [sflag:s29], $0x1  }
0x2d: {  	[sflag:s29] =	ssyncadd.s32 $0xFFFFFFFF  }
0x2e: {  	_ =	strace $0x90000048  }
0x2f: {  	_ =	sfence  }
0x30: {  	s30 =	sld [smem:$0x0];
	_ =	sdelay $0x2  }
0x31: {  	s31 =	sshll.u32 s1, $0xD;
	s1 =	sshrl.u32 s1, $0x2  }
0x32: {  	s3 =	sand.u32 $0x4000, s31;
	s1 =	sadd.s32 s1, s30  }
0x33: {  	s0 =	sor.u32 s3, s0;
	s1 =	sshll.u32 s1, $0x11  }
0x34: {  	s0 =	sor.u32 s1, s0  }
0x35: {  	s0 =	sadd.s32 $0x8F2B, s0  }
0x36: {  	[sflag:s0] =	ssyncadd.remote.s32 $0x1  }
0x37: {  	_ =	sfence.sel $0xFFFF  }
0x38: {  	[dreg:$0x0] =	wrdreg $0xFFFFFFFF;
	(pc) =	sbr.abs _section_cstart, $3  }
0x39: {  	[dreg:$0x1] =	wrdreg $0xFFFFFFFF  }
0x3a: {  	_ =	task.clear_ibuf [dreg:s8], $0x2FFFF;
	_ =	strace $0x9FFFFFFF  }
0x3b: {  	(tm) =	ssettm $0x7FFFFFFF  }
tec
execute0_lowered:
.L_overlay_start_1:
0x0: {  	(tag) =	ssettag $0x1  }
0x1: {  	s0 =	srdreg.scid  }
0x2: {  	s1 =	sshll.u32 s0, $0x4  }
0x3: {  	s2 =	rddreg [dreg:$0x0];
	s0 =	stileid.u32;
	s1 =	sand.u32 $0x10, s1  }
0x4: {  	s4 =	rddreg [dreg:$0x1];
	s1 =	sor.u32 s0, s1  }
0x5: {  	s7 =	simm.s32 $0x1;
	s8 =	simm.s32 $0x2;
	s3 =	sshll.u32 s1, $0x1  }
0x6: {  	s9 =	simm.s32 $0x0;
	s12 =	simm.s32 $0x0;
	s6 =	ssub.s32 $0x1000, s3  }
.Ltmp0:
0x7: {  	s11 =	simm.s32 $0x0;
	s5 =	sand.u32 $0x3E, s6;
	(pc) =	sbr.rel .LBB1_1-.Ltmp0, $4  }
0x8: {  	s1 =	rddreg [dreg:$0x2];
	_ =	strace $0x80000047;
	p0 =	sne.s32 s5, $0x0  }
0x9: {  	s6 =	sshrl.u32 s6, $0x6;
	s5 =	simm.s32 $0x1;
	s7 =	simm.s32 @!p0 $0x0  }
0xa: {  	s10 =	smov.u32 s3;
	[sflag:s5] =	ssyncpa.u1 $0x0;
	s6 =	sadd.s32 s7, s6  }
0xb: {  	[sflag:s8] =	ssyncpa.u1 $0x0;
	s8 =	simm.s32 $0x0;
	s7 =	sadd.s32 $0x1, s6  }
.LBB1_9:
0xc: {  	s14 =	sadd.s32 $0x40, s10  }
0xd: {  	p1 =	sgt.s32 s14, $0xFFF  }
0xe: {  	s14 =	smov.u32 @p1 s3;
	p1 =	sne.s32 s11, s7  }
.Ltmp1:
0xf: {  	p0 =	slt.u32 s11, $0x2;
	(pc) =	sbr.rel @!p1 .LBB1_10-.Ltmp1, $4  }
0x10: {  	s13 =	simm.s32 @!p0 $0x2  }
0x11: {  	s15 =	sadd.s32 $0x1, s11;
	_ =	swait.ge @!p0 [sflag:s13], $0x4000  }
0x12: {  	s12 =	smov.u32 s10;
	s9 =	sadd.s32 $0x4000, s9;
	[sflag:s13] =	ssyncset.done @!p0 $0x0  }
0x13: {  	s11 =	smov.u32 s15;
	s10 =	smov.u32 s14;
	[sflag:s13] =	ssyncadd.s32 @!p0 $0xFFFFC000  }
.LBB1_1:
0x14: {  	p0 =	sge.u32 s11, s6  }
0x15: {  	s13 =	sxor.u32 @!p0 $0xFFFFFFFF, s11  }
0x16: {  	s31 =	sadd.s32 $0xFFFFFFFF, s11;
	s14 =	sshll.u32 @!p0 s10, $0xA;
	s13 =	sshll.u32 @!p0 s13, $0xE  }
0x17: {  	s15 =	simm.s32 @!p0 $0x0;
	s14 =	sadd.s32 @!p0 s2, s14;
	s13 =	sand.u32 @!p0 $0x4000, s13  }
0x18: {  	[tilespmem:s13], [sflag:$0x1] =	stream.linear.gather @!p0 [hbm4b:s14+s15], $0x4000, $0x38;
	[tilespmem:$0x10000] =	vst v63  }
0x19: {  	p0 =	sge.u32 s31, s6  }
.Ltmp2:
0x1a: {  	_ = 	snop;
	(pc) =	sbr.rel @p0 .LBB1_9-.Ltmp2, $1  }
0x1b: {  	_ =	sdelay $0x3  }
0x1c: {  	s13 =	sshll.u32 s9, $0x2  }
0x1d: {  	_ =	swait.ge [sflag:s5], $0x4000;
	s14 =	sshll.u32 s11, $0xE;
	s16 =	simm.s32 $0x0  }
0x1e: {  	p1 =	por $0x1, $0x1;
	s13 =	sand.u32 $0x10000, s13;
	[sflag:s5] =	ssyncset.done $0x0  }
0x1f: {  	s14 =	sand.u32 $0x4000, s14;
	s15 =	sshrl.u32 s13, $0x2;
	[sflag:s5] =	ssyncadd.s32 $0xFFFFC000  }
0x20: {  	s13 =	sor.u32 $0x8000, s14;
	s14 =	sadd.s32 $0x8040, s15;
	s15 =	sadd.s32 $0x40, s15  }
.LBB1_3:
0x21: {  	s16 =	sshll.u32 s16, $0x2  }
0x22: {  	p0 =	por p1, p1;
	s17 =	sshra.s32 s16, $0x2  }
0x23: {  	s18 =	simm.s32 $0x0;
	s16 =	sadd.s32 s17, s14;
	s17 =	sadd.s32 s17, s15  }
.LBB1_4:
0x24: {  	v0 =	vmov s17;
	_ =	sdelay $0x3  }
0x25: {  	s20 =	simm.s32 $0x0  }
0x26: {  	v6 =	vld.idx.msk [tilespmem:v0+s20+$0x30 ss:$0x1], $0xffff  }
0x27: {  	v7 =	vld.idx.msk [tilespmem:v0+s20+$0xFFFFFFC0 ss:$0x1], $0xffff  }
0x28: {  	v5 =	vld.idx.msk [tilespmem:v0+s20+$0xFFFFFFD0 ss:$0x1], $0xffff  }
0x29: {  	v4 =	vld.idx.msk [tilespmem:v0+s20+$0xFFFFFFE0 ss:$0x1], $0xffff  }
0x2a: {  	v3 =	vld.idx.msk [tilespmem:v0+s20+$0xFFFFFFF0 ss:$0x1], $0xffff  }
0x2b: {  	v1 =	vld.idx.msk [tilespmem:v0+s20+$0x0 ss:$0x1], $0xffff  }
0x2c: {  	v2 =	vld.idx.msk [tilespmem:v0+s20+$0x10 ss:$0x1], $0xffff;
	[tilespmem:s16+$0x30] =	vst v6  }
0x2d: {  	s19 =	simm.s32 $0x80;
	s21 =	simm.s32 $0x400;
	[tilespmem:s16+$0xFFFFFFC0] =	vst v7;
	v6 =	vld.idx.msk [tilespmem:v0+s20+$0x20 ss:$0x1], $0xffff;
	s20 =	smov.u32 s16  }
.LBB1_5:
0x2e: {  	p1 =	sne.s32 s21, $0xE00;
	v7 =	vld.idx.msk [tilespmem:v0+s19+$0x30 ss:$0x1], $0xffff;
	[tilespmem:s20+$0xFFFFFFD0] =	vst v5  }
0x2f: {  	v8 =	vld.idx.msk [tilespmem:v0+s19+$0xFFFFFFC0 ss:$0x1], $0xffff;
	[tilespmem:s20+$0xFFFFFFE0] =	vst v4  }
0x30: {  	v5 =	vld.idx.msk [tilespmem:v0+s19+$0xFFFFFFD0 ss:$0x1], $0xffff;
	[tilespmem:s20+$0xFFFFFFF0] =	vst v3  }
.Ltmp3:
0x31: {  	v4 =	vld.idx.msk [tilespmem:v0+s19+$0xFFFFFFE0 ss:$0x1], $0xffff;
	[tilespmem:s20+$0x0] =	vst v1;
	(pc) =	sbr.rel @p1 .LBB1_5-.Ltmp3, $4  }
0x32: {  	v3 =	vld.idx.msk [tilespmem:v0+s19+$0xFFFFFFF0 ss:$0x1], $0xffff;
	[tilespmem:s20+$0x10] =	vst v2  }
0x33: {  	v1 =	vld.idx.msk [tilespmem:v0+s19+$0x0 ss:$0x1], $0xffff;
	[tilespmem:s20+$0x20] =	vst v6;
	s20 =	sadd.s32 $0x400, s20  }
0x34: {  	v2 =	vld.idx.msk [tilespmem:v0+s19+$0x10 ss:$0x1], $0xffff;
	[tilespmem:s20+$0x30] =	vst v7  }
0x35: {  	[tilespmem:s20+$0xFFFFFFC0] =	vst v8;
	v6 =	vld.idx.msk [tilespmem:v0+s19+$0x20 ss:$0x1], $0xffff;
	s19 =	sshra.s32 s21, $0x2;
	s21 =	sadd.s32 $0x200, s21  }
0x36: {  	_ =	sdelay $0x2  }
0x37: {  	[tilespmem:s20+$0xFFFFFFD0] =	vst v5  }
0x38: {  	v56 =	vld.idx.msk [tilespmem:v0+s19+$0x30 ss:$0x1], $0xffff;
	[tilespmem:s20+$0xFFFFFFE0] =	vst v4  }
0x39: {  	v57 =	vld.idx.msk [tilespmem:v0+s19+$0xFFFFFFC0 ss:$0x1], $0xffff;
	[tilespmem:s20+$0xFFFFFFF0] =	vst v3  }
0x3a: {  	v58 =	vld.idx.msk [tilespmem:v0+s19+$0xFFFFFFD0 ss:$0x1], $0xffff;
	[tilespmem:s20+$0x0] =	vst v1  }
0x3b: {  	v59 =	vld.idx.msk [tilespmem:v0+s19+$0xFFFFFFE0 ss:$0x1], $0xffff;
	[tilespmem:s20+$0x10] =	vst v2  }
0x3c: {  	v60 =	vld.idx.msk [tilespmem:v0+s19+$0xFFFFFFF0 ss:$0x1], $0xffff;
	s31 =	sadd.s32 $0x400, s20;
	[tilespmem:s20+$0x20] =	vst v6  }
0x3d: {  	v61 =	vld.idx.msk [tilespmem:v0+s19+$0x0 ss:$0x1], $0xffff;
	[tilespmem:s31+$0x30] =	vst v56  }
0x3e: {  	v62 =	vld.idx.msk [tilespmem:v0+s19+$0x10 ss:$0x1], $0xffff;
	s18 =	sadd.s32 $0x1, s18;
	[tilespmem:s31+$0xFFFFFFC0] =	vst v57  }
0x3f: {  	v63 =	vld.idx.msk [tilespmem:v0+s19+$0x20 ss:$0x1], $0xffff;
	p1 =	sne.s32 s18, $0x8;
	[tilespmem:s31+$0xFFFFFFD0] =	vst v58  }
.Ltmp4:
0x40: {  	[tilespmem:s31+$0xFFFFFFE0] =	vst v59;
	(pc) =	sbr.rel @p1 .LBB1_4-.Ltmp4, $4  }
0x41: {  	[tilespmem:s31+$0xFFFFFFF0] =	vst v60  }
0x42: {  	[tilespmem:s31+$0x0] =	vst v61  }
0x43: {  	[tilespmem:s31+$0x10] =	vst v62  }
0x44: {  	s16 =	sadd.s32 $0x80, s16;
	s17 =	sadd.s32 $0x400, s17;
	[tilespmem:s31+$0x20] =	vst v63  }
.Ltmp5:
0x45: {  	(pc) =	sbr.rel @p0 .LBB1_3-.Ltmp5, $2  }
0x46: {  	_ =	sdelay $0x2  }
0x47: {  	s16 =	simm.s32 $0x2000;
	p1 =	por $0x0, $0x0  }
.Ltmp6:
0x48: {  	(pc) =	sbr.rel .LBB1_9-.Ltmp6, $4  }
0x49: {  	_ = 	snop  }
0x4a: {  	s12 =	sshll.u32 s12, $0xA  }
0x4b: {  	s12 =	sadd.s32 s4, s12  }
0x4c: {  	[hbm4b:s12+s8] =	stream.linear.scatter [tilespmem:s13], [sflag:$0x2], $0x4000, $0x38;
	[tilespmem:$0x10000] =	vst v63  }
.LBB1_10:
0x4d: {  	_ =	sfence.sel $0x180000  }
0x4e: {  	s2 =	simm.s32 $0x1;
	[bflag:$0x0] =	sbarrier.arrive $0xFFFF  }
0x4f: {  	s31 =	simm.s32 $0x2;
	[sflag:s2] =	ssyncpa.u1 $0x1  }
0x50: {  	[sflag:s31] =	ssyncpa.u1 $0x1  }
0x51: {  	p0 =	sne.s32 s0, $0x0;
	_ =	strace $0x90000047  }
0x52: {  	s0 =	sadd.s32 @!p0 $0x100000, s1;
	[bflag:$0x2] =	sbarrier.arrive $0xFFFF  }
0x53: {  	[sflag:s0] =	ssyncadd.tile.s32 @!p0 $0x1;
	_ =	shalt  }
.Lfunc_end1:
_tile_overlayer_lowered:
.L_overlay_start_2:
0x54: {  	(tag) =	ssettag $0x2  }
0x55: {  	s0 =	rddreg [dreg:$0x0];
	s2 =	stileid.u32  }
0x56: {  	s1 =	rddreg [dreg:$0x1];
	p0 =	sne.s32 s2, $0x0  }
0x57: {  	s3 =	rddreg [dreg:$0x2];
	[bflag:$0x3] =	sbarrier.arrive $0xFFFF;
	s2 =	simm.s32 @!p0 $0x1C01  }
0x58: {  	[timem:s3], [sflag:s2] =	dma.local @!p0 [hbm:s0], s1  }
0x59: {  	s0 =	simm.s32 @!p0 $0x1  }
0x5a: {  	_ =	swait.ge @!p0 [sflag:s0], s1  }
0x5b: {  	s1 =	ssub.s32 @!p0 $0x0, s1;
	[sflag:s0] =	ssyncset.done @!p0 $0x0  }
0x5c: {  	[sflag:s0] =	ssyncadd.s32 @!p0 s1  }
0x5d: {  	[bflag:$0x3] =	sbarrier.arrive $0xFFFF  }
0x5e: {  	_ =	shalt  }

</sc_bundles>
